<compile_context>
chip_gen: v7x
topology: tpu7x:2x2x1
jax: 0.10.2.dev20260603
libtpu: 0.0.44.dev20260713+nightly
codegen_flags: <defaults>
</compile_context>

<pallas_src>
import jax
import jax.numpy as jnp
from jax.experimental import pallas as pl
from jax.experimental.pallas import tpu as pltpu

_B, _N, _K, _CIN, _COUT = 1, 10000, 32, 128, 128
_CCAT = _CIN + 3
_NK = _N * _K
_BN = 2048
_NJ = (_N + _BN - 1) // _BN


def _body(fj4_ref, dp4_ref, wd_ref, wf_ref, b_ref,
          cat4_ref, fn_ref, dpo4_ref):
    k = pl.program_id(1)
    xk = fj4_ref[:, 0, 0, :]
    xdk = dp4_ref[:, 0, 0, :]
    cat4_ref[0:3, 0, 0, :] = xdk
    dpo4_ref[:, 0, 0, :] = xdk
    cat4_ref[3:, 0, 0, :] = xk.T
    hk = jax.lax.dot_general(
        xk, wf_ref[...], (((1,), (0,)), ((), ())),
        preferred_element_type=jnp.float32)
    hk = hk + jax.lax.dot_general(
        xdk, wd_ref[...], (((0,), (0,)), ((), ())),
        preferred_element_type=jnp.float32)

    @pl.when(k == 0)
    def _init():
        fn_ref[...] = hk

    @pl.when(k > 0)
    def _acc():
        fn_ref[...] = jnp.maximum(fn_ref[...], hk)

    @pl.when(k == _K - 1)
    def _finish():
        fn_ref[...] = jnp.maximum(fn_ref[...] + b_ref[...], 0.0)


def kernel(p, f, dp, fj, W, b):
    fj4 = jnp.transpose(fj, (0, 2, 3, 1)).reshape(_N, _K, 1, _CIN)
    dp4 = jnp.transpose(dp, (0, 1, 3, 2)).reshape(3, _K, 1, _N)
    wd = W[:, :3].T
    wf = W[:, 3:].T
    b2 = b.reshape(1, _COUT)

    cat4, fn, dpo = pl.pallas_call(
        _body,
        grid=(_NJ, _K),
        in_specs=[
            pl.BlockSpec((_BN, 1, 1, _CIN), lambda j, k: (j, k, 0, 0)),
            pl.BlockSpec((3, 1, 1, _BN), lambda j, k: (0, k, 0, j)),
            pl.BlockSpec((3, _COUT), lambda j, k: (0, 0)),
            pl.BlockSpec((_CIN, _COUT), lambda j, k: (0, 0)),
            pl.BlockSpec((1, _COUT), lambda j, k: (0, 0)),
        ],
        out_specs=[
            pl.BlockSpec((_CCAT, 1, 1, _BN), lambda j, k: (0, k, 0, j)),
            pl.BlockSpec((_BN, _COUT), lambda j, k: (j, 0)),
            pl.BlockSpec((3, 1, 1, _BN), lambda j, k: (0, k, 0, j)),
        ],
        out_shape=[
            jax.ShapeDtypeStruct((_CCAT, _K, 1, _N), jnp.float32),
            jax.ShapeDtypeStruct((_N, _COUT), jnp.float32),
            jax.ShapeDtypeStruct((3, _K, 1, _N), jnp.float32),
        ],
        compiler_params=pltpu.CompilerParams(
            dimension_semantics=("parallel", "arbitrary")),
    )(fj4, dp4, wd, wf, b2)

    fj_cat = jnp.transpose(cat4.reshape(_B, _CCAT, _K, _N), (0, 1, 3, 2))
    f_new = jnp.transpose(fn.reshape(_B, _N, _COUT), (0, 2, 1))
    dp_out = jnp.transpose(dpo.reshape(_B, 3, _K, _N), (0, 1, 3, 2))
    return (p, f_new, dp_out, fj_cat)

# --- scband reference (transcript-rebuilt; emitter-appended) ---
"""Pipeline reference for scband-set-abstraction-63471026700451 (READ-ONLY COPY).

The authoritative reference and input builder live on the scoring server;
editing this copy changes nothing except your own understanding.
"""

import jax, jax.numpy as jnp
import numpy as np

B, N, K, CIN, COUT = 1, 10000, 32, 128, 128

def setup_inputs(seed: int = 0) -> dict:
    key = jax.random.key(seed)
    k1, k2, k3, k4, k5, k6 = jax.random.split(key, 6)
    p = jax.random.normal(k1, (B, N, 3), dtype=jnp.float32)
    f = jax.random.normal(k2, (B, CIN, N), dtype=jnp.float32)
    dp = jax.random.normal(k3, (B, 3, N, K), dtype=jnp.float32)
    fj = jax.random.normal(k4, (B, CIN, N, K), dtype=jnp.float32)
    # learned params of the single conv block: Conv2d(CIN+3 -> COUT, kernel (1,1), bias=True)
    W = jax.random.normal(k5, (COUT, CIN + 3), dtype=jnp.float32) * (1.0 / np.sqrt(CIN + 3))
    b = jax.random.normal(k6, (COUT,), dtype=jnp.float32) * 0.01
    return {"p": p, "f": f, "dp": dp, "fj": fj, "W": W, "b": b}

def reference(p, f, dp, fj, W, b):
    # fj = torch.cat([dp, fj], 1)
    fj_cat = jnp.concatenate([dp, fj], axis=1)  # [B, 3+CIN, N, K]
    # convs: Conv2d 1x1 (131 -> 128) + ReLU (norm layers are None in this config)
    h = jnp.einsum('oc,bcnk->bonk', W, fj_cat) + b[None, :, None, None]
    h = jax.nn.relu(h)
    # pool: max over nsample dim
    f_new = jnp.max(h, axis=-1)  # [B, COUT, N]
    # module returns (p, f, dp, fj) with f updated and fj the concatenated tensor
    return (p, f_new, dp, fj_cat)

if __name__ == "__main__":
    import jax
    _d = setup_inputs()
    print(jax.jit(kernel)(*tuple(_d.values())))

</pallas_src>

<mosaic_0001>
module attributes {stable_mosaic.version = 14 : i64} {
  func.func @_body(%arg0: i32, %arg1: i32, %arg2: memref<2048x1x1x128xf32, #tpu.memory_space<vmem>>, %arg3: memref<3x1x1x2048xf32, #tpu.memory_space<vmem>>, %arg4: memref<3x128xf32, #tpu.memory_space<vmem>>, %arg5: memref<128x128xf32, #tpu.memory_space<vmem>>, %arg6: memref<1x128xf32, #tpu.memory_space<vmem>>, %arg7: memref<131x1x1x2048xf32, #tpu.memory_space<vmem>>, %arg8: memref<2048x128xf32, #tpu.memory_space<vmem>>, %arg9: memref<3x1x1x2048xf32, #tpu.memory_space<vmem>>) attributes {dimension_semantics = [#tpu.dimension_semantics<parallel>, #tpu.dimension_semantics<arbitrary>], iteration_bounds = array<i64: 5, 32>, scalar_prefetch = 0 : i64, scratch_operands = 0 : i64, tpu.core_type = #tpu.core_type<tc>, window_params = [{transform_indices = @transform_0, window_bounds = array<i64: 2048, 1, 1, 128>}, {transform_indices = @transform_1, window_bounds = array<i64: 3, 1, 1, 2048>}, {pipeline_mode = #tpu.pipeline_mode<synchronous>, transform_indices = @transform_2, window_bounds = array<i64: 3, 128>}, {pipeline_mode = #tpu.pipeline_mode<synchronous>, transform_indices = @transform_3, window_bounds = array<i64: 128, 128>}, {pipeline_mode = #tpu.pipeline_mode<synchronous>, transform_indices = @transform_4, window_bounds = array<i64: 1, 128>}, {transform_indices = @transform_5, window_bounds = array<i64: 131, 1, 1, 2048>}, {transform_indices = @transform_6, window_bounds = array<i64: 2048, 128>}, {transform_indices = @transform_7, window_bounds = array<i64: 3, 1, 1, 2048>}]} {
    %get3A = arith.constant 0 : index
    %get3A_0 = arith.constant 0 : index
    %get3A_1 = arith.constant 0 : index
    %get3A_2 = arith.constant 0 : index
    %get3A_3 = vector.load %arg2[%get3A, %get3A_0, %get3A_1, %get3A_2] : memref<2048x1x1x128xf32, #tpu.memory_space<vmem>>, vector<2048x1x1x128xf32>
    %get3A_4 = vector.shape_cast %get3A_3 : vector<2048x1x1x128xf32> to vector<2048x128xf32>
    %get3A_5 = arith.constant 0 : index
    %get3A_6 = arith.constant 0 : index
    %get3A_7 = arith.constant 0 : index
    %get3A_8 = arith.constant 0 : index
    %get3A_9 = vector.load %arg3[%get3A_5, %get3A_6, %get3A_7, %get3A_8] : memref<3x1x1x2048xf32, #tpu.memory_space<vmem>>, vector<3x1x1x2048xf32>
    %get3A_10 = vector.shape_cast %get3A_9 : vector<3x1x1x2048xf32> to vector<3x2048xf32>
    %swap3A = arith.constant 0 : index
    %swap3A_11 = arith.constant 0 : index
    %swap3A_12 = arith.constant 0 : index
    %swap3A_13 = arith.constant 0 : index
    %swap3A_14 = vector.load %arg7[%swap3A, %swap3A_11, %swap3A_12, %swap3A_13] : memref<131x1x1x2048xf32, #tpu.memory_space<vmem>>, vector<3x1x1x2048xf32>
    %swap3A_15 = vector.shape_cast %swap3A_14 : vector<3x1x1x2048xf32> to vector<3x2048xf32>
    %swap3A_16 = vector.shape_cast %get3A_10 : vector<3x2048xf32> to vector<3x1x1x2048xf32>
    tpu.vector_store %arg7[%swap3A, %swap3A_11, %swap3A_12, %swap3A_13], %swap3A_16 {strides = array<i32>} : memref<131x1x1x2048xf32, #tpu.memory_space<vmem>>, vector<3x1x1x2048xf32>,
    %swap3A_17 = arith.constant 0 : index
    %swap3A_18 = arith.constant 0 : index
    %swap3A_19 = arith.constant 0 : index
    %swap3A_20 = arith.constant 0 : index
    %swap3A_21 = vector.load %arg9[%swap3A_17, %swap3A_18, %swap3A_19, %swap3A_20] : memref<3x1x1x2048xf32, #tpu.memory_space<vmem>>, vector<3x1x1x2048xf32>
    %swap3A_22 = vector.shape_cast %swap3A_21 : vector<3x1x1x2048xf32> to vector<3x2048xf32>
    %swap3A_23 = vector.shape_cast %get3A_10 : vector<3x2048xf32> to vector<3x1x1x2048xf32>
    tpu.vector_store %arg9[%swap3A_17, %swap3A_18, %swap3A_19, %swap3A_20], %swap3A_23 {strides = array<i32>} : memref<3x1x1x2048xf32, #tpu.memory_space<vmem>>, vector<3x1x1x2048xf32>,
    %transpose3A = tpu.transpose %get3A_4, [1, 0] : vector<2048x128xf32> -> vector<128x2048xf32>
    %swap3A_24 = arith.constant 3 : index
    %swap3A_25 = arith.constant 0 : index
    %swap3A_26 = arith.constant 0 : index
    %swap3A_27 = arith.constant 0 : index
    %swap3A_28 = vector.load %arg7[%swap3A_24, %swap3A_25, %swap3A_26, %swap3A_27] : memref<131x1x1x2048xf32, #tpu.memory_space<vmem>>, vector<128x1x1x2048xf32>
    %swap3A_29 = vector.shape_cast %swap3A_28 : vector<128x1x1x2048xf32> to vector<128x2048xf32>
    %swap3A_30 = vector.shape_cast %transpose3A : vector<128x2048xf32> to vector<128x1x1x2048xf32>
    tpu.vector_store %arg7[%swap3A_24, %swap3A_25, %swap3A_26, %swap3A_27], %swap3A_30 {strides = array<i32>} : memref<131x1x1x2048xf32, #tpu.memory_space<vmem>>, vector<128x1x1x2048xf32>,
    %get3A_31 = arith.constant 0 : index
    %get3A_32 = arith.constant 0 : index
    %get3A_33 = vector.load %arg5[%get3A_31, %get3A_32] : memref<128x128xf32, #tpu.memory_space<vmem>>, vector<128x128xf32>
    %dot_general3A = arith.constant dense<0.000000e+00> : vector<2048x128xf32>
    %dot_general3A_34 = tpu.matmul %get3A_4, %get3A_33, %dot_general3A {dimension_numbers = #tpu.dot_dimension_numbers<[1], [0], [0], [1], [0, 0, 1, 1], [], []>, transpose_lhs_hint = false} : vector<2048x128xf32>, vector<128x128xf32>, vector<2048x128xf32> -> vector<2048x128xf32>
    %get3A_35 = arith.constant 0 : index
    %get3A_36 = arith.constant 0 : index
    %get3A_37 = vector.load %arg4[%get3A_35, %get3A_36] : memref<3x128xf32, #tpu.memory_space<vmem>>, vector<3x128xf32>
    %dot_general3A_38 = arith.constant dense<0.000000e+00> : vector<2048x128xf32>
    %dot_general3A_39 = tpu.matmul %get3A_10, %get3A_37, %dot_general3A_38 {dimension_numbers = #tpu.dot_dimension_numbers<[0], [0], [1], [1], [0, 1, 1, 1], [], []>, transpose_lhs_hint = false} : vector<3x2048xf32>, vector<3x128xf32>, vector<2048x128xf32> -> vector<2048x128xf32>
    %add3A = arith.addf %dot_general3A_34, %dot_general3A_39 : vector<2048x128xf32>
    %eq3A = arith.constant 0 : i32
    %eq3A_40 = arith.cmpi eq, %arg1, %eq3A : i32
    %convert_element_type3A = arith.extui %eq3A_40 : i1 to i32
    %cond3A = arith.constant 0 : i32
    %cond3A_41 = arith.cmpi ne, %convert_element_type3A, %cond3A : i32
    scf.if %cond3A_41 {
      %swap3A_51 = arith.constant 0 : index
      %swap3A_52 = arith.constant 0 : index
      %swap3A_53 = vector.load %arg8[%swap3A_51, %swap3A_52] : memref<2048x128xf32, #tpu.memory_space<vmem>>, vector<2048x128xf32>
      tpu.vector_store %arg8[%swap3A_51, %swap3A_52], %add3A {strides = array<i32>} : memref<2048x128xf32, #tpu.memory_space<vmem>>, vector<2048x128xf32>,
    } else {
    }
    %gt3A = arith.constant 0 : i32
    %gt3A_42 = arith.cmpi sgt, %arg1, %gt3A : i32
    %convert_element_type3A_43 = arith.extui %gt3A_42 : i1 to i32
    %cond3A_44 = arith.constant 0 : i32
    %cond3A_45 = arith.cmpi ne, %convert_element_type3A_43, %cond3A_44 : i32
    scf.if %cond3A_45 {
      %get3A_51 = arith.constant 0 : index
      %get3A_52 = arith.constant 0 : index
      %get3A_53 = vector.load %arg8[%get3A_51, %get3A_52] : memref<2048x128xf32, #tpu.memory_space<vmem>>, vector<2048x128xf32>
      %max3A = arith.maximumf %get3A_53, %add3A : vector<2048x128xf32>
      %swap3A_54 = arith.constant 0 : index
      %swap3A_55 = arith.constant 0 : index
      %swap3A_56 = vector.load %arg8[%swap3A_54, %swap3A_55] : memref<2048x128xf32, #tpu.memory_space<vmem>>, vector<2048x128xf32>
      tpu.vector_store %arg8[%swap3A_54, %swap3A_55], %max3A {strides = array<i32>} : memref<2048x128xf32, #tpu.memory_space<vmem>>, vector<2048x128xf32>,
    } else {
    }
    %eq3A_46 = arith.constant 31 : i32
    %eq3A_47 = arith.cmpi eq, %arg1, %eq3A_46 : i32
    %convert_element_type3A_48 = arith.extui %eq3A_47 : i1 to i32
    %cond3A_49 = arith.constant 0 : i32
    %cond3A_50 = arith.cmpi ne, %convert_element_type3A_48, %cond3A_49 : i32
    scf.if %cond3A_50 {
      %get3A_51 = arith.constant 0 : index
      %get3A_52 = arith.constant 0 : index
      %get3A_53 = vector.load %arg8[%get3A_51, %get3A_52] : memref<2048x128xf32, #tpu.memory_space<vmem>>, vector<2048x128xf32>
      %get3A_54 = arith.constant 0 : index
      %get3A_55 = arith.constant 0 : index
      %get3A_56 = vector.load %arg6[%get3A_54, %get3A_55] : memref<1x128xf32, #tpu.memory_space<vmem>>, vector<1x128xf32>
      %add3A_57 = vector.broadcast %get3A_56 : vector<1x128xf32> to vector<2048x128xf32>
      %add3A_58 = arith.addf %get3A_53, %add3A_57 : vector<2048x128xf32>
      %max3A = arith.constant 0.000000e+00 : f32
      %max3A_59 = vector.broadcast %max3A : f32 to vector<2048x128xf32>
      %max3A_60 = arith.maximumf %add3A_58, %max3A_59 : vector<2048x128xf32>
      %swap3A_61 = arith.constant 0 : index
      %swap3A_62 = arith.constant 0 : index
      %swap3A_63 = vector.load %arg8[%swap3A_61, %swap3A_62] : memref<2048x128xf32, #tpu.memory_space<vmem>>, vector<2048x128xf32>
      tpu.vector_store %arg8[%swap3A_61, %swap3A_62], %max3A_60 {strides = array<i32>} : memref<2048x128xf32, #tpu.memory_space<vmem>>, vector<2048x128xf32>,
    } else {
    }
    return
  }
  func.func @transform_0(%arg0: i32, %arg1: i32) -> (i32, i32, i32, i32) {
    %c0_i32 = arith.constant 0 : i32
    %c0_i32_0 = arith.constant 0 : i32
    %c0_i32_1 = arith.constant 0 : i32
    return %arg0, %arg1, %c0_i32, %c0_i32_0 : i32, i32, i32, i32
  }
  func.func @transform_1(%arg0: i32, %arg1: i32) -> (i32, i32, i32, i32) {
    %c0_i32 = arith.constant 0 : i32
    %c0_i32_0 = arith.constant 0 : i32
    %c0_i32_1 = arith.constant 0 : i32
    return %c0_i32, %arg1, %c0_i32_0, %arg0 : i32, i32, i32, i32
  }
  func.func @transform_2(%arg0: i32, %arg1: i32) -> (i32, i32) {
    %c0_i32 = arith.constant 0 : i32
    %c0_i32_0 = arith.constant 0 : i32
    %c0_i32_1 = arith.constant 0 : i32
    return %c0_i32, %c0_i32_0 : i32, i32
  }
  func.func @transform_3(%arg0: i32, %arg1: i32) -> (i32, i32) {
    %c0_i32 = arith.constant 0 : i32
    %c0_i32_0 = arith.constant 0 : i32
    %c0_i32_1 = arith.constant 0 : i32
    return %c0_i32, %c0_i32_0 : i32, i32
  }
  func.func @transform_4(%arg0: i32, %arg1: i32) -> (i32, i32) {
    %c0_i32 = arith.constant 0 : i32
    %c0_i32_0 = arith.constant 0 : i32
    %c0_i32_1 = arith.constant 0 : i32
    return %c0_i32, %c0_i32_0 : i32, i32
  }
  func.func @transform_5(%arg0: i32, %arg1: i32) -> (i32, i32, i32, i32) {
    %c0_i32 = arith.constant 0 : i32
    %c0_i32_0 = arith.constant 0 : i32
    %c0_i32_1 = arith.constant 0 : i32
    return %c0_i32, %arg1, %c0_i32_0, %arg0 : i32, i32, i32, i32
  }
  func.func @transform_6(%arg0: i32, %arg1: i32) -> (i32, i32) {
    %c0_i32 = arith.constant 0 : i32
    %c0_i32_0 = arith.constant 0 : i32
    return %arg0, %c0_i32 : i32, i32
  }
  func.func @transform_7(%arg0: i32, %arg1: i32) -> (i32, i32, i32, i32) {
    %c0_i32 = arith.constant 0 : i32
    %c0_i32_0 = arith.constant 0 : i32
    %c0_i32_1 = arith.constant 0 : i32
    return %c0_i32, %arg1, %c0_i32_0, %arg0 : i32, i32, i32, i32
  }
}

</mosaic_0001>

<sc_bundles>
// kernel: sparse-core-data-format-call.cloned.1.call-start
scs
called_computation_lowered:
.L_overlay_start_0:
0x0: {  	s2 =	sld [smem:$0x3FD9]  }
0x1: {  	s3 =	sld [smem:$0x3FFE];
	_ =	sdelay $0x1  }
0x2: {  	s1 =	srdreg.scid  }
0x3: {  	s0 =	sand.u32 $0x1, s1  }
0x4: {  	s15 =	sshll.u32 s0, $0xA;
	s2 =	sadd.s32 s3, s2  }
0x5: {  	s2 =	sadd.s32 s2, s15  }
0x6: {  	[smem:$0x3FC3] =	sst s2  }
0x7: {  	_ = 	snop  }
0x8: {  	s2 =	sld [smem:$0x3FD0];
	_ =	sdelay $0x2  }
0x9: {  	s16 =	simm.s32 $0xA;
	s4 =	simm.s32 $0x10  }
0xa: {  	[smem:s4], [sflag:s16] =	dma.local [hbm:s2], $0x1  }
0xb: {  	_ =	swait.eq [sflag:s16], $0x1  }
0xc: {  	[sflag:s16] =	ssyncset.done $0x0  }
0xd: {  	[sflag:s16] =	ssyncadd.s32 $0xFFFFFFFF  }
0xe: {  	s17 =	sld [smem:$0x13];
	(tm) =	ssettm $0x1  }
0xf: {  	s18 =	sld [smem:$0x3FFB];
	_ =	sdelay $0x3  }
0x10: {  	_ =	strace s18  }
0x11: {  	s3 =	sld [smem:$0x3FFC];
	_ =	sdelay $0x3  }
0x12: {  	_ =	strace s3  }
0x13: {  	s3 =	sld [smem:$0x3FFD];
	_ =	sdelay $0x3  }
0x14: {  	_ =	strace s3  }
0x15: {  	_ =	strace $0x8FFFFFFF  }
0x16: {  	s19 =	sld [smem:$0x3FDB];
	_ =	sdelay $0x1  }
0x17: {  	s20 =	simm.s32 $_scs_section_size  }
0x18: {  	s5 =	simm.s32 $_size__tile_overlayer_lowered;
	s6 =	simm.s32 $_tile_overlayer_lowered  }
0x19: {  	s23 =	simm.s32 $0x1BFF;
	s22 =	sshll.u32 s6, $0x1;
	s3 =	sadd.s32 s20, s19  }
0x1a: {  	s7 =	simm.s32 $0x0;
	s21 =	sshll.u32 s5, $0x1;
	s5 =	sadd.s32 s22, s3  }
0x1b: {  	[timem:s7], [sflag:s23] =	dma.local [hbm:s5], s21  }
0x1c: {  	_ =	swait.ge [sflag:s23], s21  }
0x1d: {  	s4 =	ssub.s32 $0x0, s21;
	[sflag:s23] =	ssyncset.done $0x0  }
0x1e: {  	[sflag:s23] =	ssyncadd.s32 s4;
	_ =	sdelay $0x1  }
0x1f: {  	s24 =	simm.s32 $0x1B8B  }
0x20: {  	_ =	swait.ge [sflag:s24], $0x1  }
0x21: {  	[sflag:s24] =	ssyncset.done $0x0  }
0x22: {  	s26 =	simm.s32 $0x1B8E;
	s25 =	sld [smem:$0x3FFE];
	[sflag:s24] =	ssyncadd.s32 $0xFFFFFFFF  }
0x23: {  	s27 =	simm.s32 $execute0_lowered;
	[smem:$0x3FD2] =	sst s26  }
0x24: {  	s5 =	sshll.u32 s27, $0x1;
	_ =	strace $0x80000046;
	[dreg:$0x1] =	wrdreg $0xFFFFFFFF  }
0x25: {  	s28 =	simm.s32 $_size_execute0_lowered;
	s3 =	sadd.s32 s3, s5;
	[dreg:$0x0] =	wrdreg $0x0  }
0x26: {  	s5 =	sshll.u32 s28, $0x1;
	[dreg:$0x2] =	wrdreg s3  }
0x27: {  	[dreg:$0x3] =	wrdreg s5  }
0x28: {  	[dreg:$0x4] =	wrdreg $0xC0  }
0x29: {  	_ =	task [dreg:s7], $0x5FFFF  }
0x2a: {  	[dreg:$0x1] =	wrdreg $0xFFFFFFFF  }
0x2b: {  	[dreg:$0x0] =	wrdreg $0x60  }
0x2c: {  	[dreg:$0x2] =	wrdreg s25  }
0x2d: {  	[dreg:$0x3] =	wrdreg s17  }
0x2e: {  	[dreg:$0x4] =	wrdreg $0x9  }
0x2f: {  	_ =	task.clear_ibuf [dreg:s7], $0x5FFFF;
	_ =	strace $0x90000046  }
0x30: {  	s29 =	simm.s32 $0x9;
	_ =	strace $0x80000048  }
0x31: {  	_ =	swait.ge [sflag:s29], $0x1  }
0x32: {  	[sflag:s29] =	ssyncadd.s32 $0xFFFFFFFF  }
0x33: {  	_ =	strace $0x90000048  }
0x34: {  	_ =	sfence  }
0x35: {  	s30 =	sld [smem:$0x0];
	_ =	sdelay $0x2  }
0x36: {  	s31 =	sshll.u32 s1, $0xD;
	s1 =	sshrl.u32 s1, $0x2  }
0x37: {  	s3 =	sand.u32 $0x4000, s31;
	s1 =	sadd.s32 s1, s30  }
0x38: {  	s0 =	sor.u32 s3, s0;
	s1 =	sshll.u32 s1, $0x11  }
0x39: {  	s0 =	sor.u32 s1, s0  }
0x3a: {  	s0 =	sadd.s32 $0x8F2B, s0  }
0x3b: {  	[sflag:s0] =	ssyncadd.remote.s32 $0x1  }
0x3c: {  	_ =	sfence.sel $0xFFFF  }
0x3d: {  	[dreg:$0x0] =	wrdreg $0xFFFFFFFF;
	(pc) =	sbr.abs _section_cstart, $3  }
0x3e: {  	[dreg:$0x1] =	wrdreg $0xFFFFFFFF  }
0x3f: {  	_ =	task.clear_ibuf [dreg:s7], $0x2FFFF;
	_ =	strace $0x9FFFFFFF  }
0x40: {  	(tm) =	ssettm $0x7FFFFFFF  }
0x41: {  	_ =	shalt  }
tec
execute0_lowered:
.L_overlay_start_1:
0x0: {  	(tag) =	ssettag $0x1  }
0x1: {  	s0 =	srdreg.scid  }
0x2: {  	s2 =	stileid.u32;
	s1 =	rddreg [dreg:$0x0];
	s0 =	sshll.u32 s0, $0x4  }
0x3: {  	_ =	strace $0x80000047;
	s29 =	simm.s32 $0x1;
	s0 =	sand.u32 $0x10, s0  }
0x4: {  	s30 =	simm.s32 $0x2;
	s16 =	simm.s32 $0x0;
	s0 =	sor.u32 s2, s0  }
0x5: {  	s17 =	simm.s32 $0x0;
	s18 =	simm.s32 $0x0;
	s3 =	sshll.u32 s0, $0x7  }
0x6: {  	s9 =	simm.s32 $0x0;
	s10 =	simm.s32 $0x0;
	s0 =	ssub.s32 $0x2700, s3  }
.Ltmp0:
0x7: {  	s12 =	simm.s32 $0x0;
	s0 =	sshrl.u32 s0, $0xC;
	(pc) =	sbr.rel .LBB1_1-.Ltmp0, $4  }
0x8: {  	s13 =	simm.s32 $0x0;
	s14 =	simm.s32 $0x0;
	s0 =	smul.u32 $0x21, s0  }
0x9: {  	s15 =	simm.s32 $0x0;
	[sflag:s29] =	ssyncpa.u1 $0x0;
	s1 =	sadd.s32 $0xC00, s1  }
0xa: {  	[dreg:$0x3] =	wrdreg s1;
	[sflag:s30] =	ssyncpa.u1 $0x0;
	s31 =	sadd.s32 $0x21, s0  }
0xb: {  	s11 =	smov.u32 s3;
	s7 =	sadd.s32 $0x22, s0;
	[dreg:$0x4] =	wrdreg s31  }
.LBB1_14:
0xc: {  	s0 =	sshrl.u32 s10, $0x3  }
0xd: {  	s1 =	sshll.u32 s9, $0x3;
	s0 =	smul.u32 $0x13C00, s0  }
0xe: {  	s2 =	sshll.u32 s10, $0x7;
	s1 =	sand.u32 $0xFFFFFC00, s1  }
0xf: {  	s24 =	sand.u32 $0x380, s2;
	s0 =	sadd.s32 s0, s1  }
0x10: {  	s25 =	sand.u32 $0x7F, s9;
	s0 =	sor.u32 s24, s0  }
0x11: {  	s1 =	sor.u32 s25, s0  }
0x12: {  	s2 =	smulhi.u32 $0xCF6474A9, s1  }
0x13: {  	s0 =	smulhi.u32 $0xCF6474A9, s0  }
0x14: {  	s2 =	sshrl.u32 s2, $0xD  }
0x15: {  	s0 =	sshrl.u32 s0, $0xD;
	s2 =	smul.u32 $0x2780, s2  }
0x16: {  	s4 =	smul.u32 $0x9E00, s12;
	s0 =	sand.u32 $0x1F, s0  }
0x17: {  	s26 =	rddreg [dreg:$0x1];
	s0 =	smul.u32 $0x4F0, s0;
	s1 =	ssub.s32 s1, s2  }
0x18: {  	s29 =	sor.u32 $0x8000, s20;
	s2 =	sadd.s32 s26, s4;
	s27 =	sand.u32 $0x7, s1  }
0x19: {  	s1 =	sshrl.u32 s1, $0x3;
	s0 =	sadd.s32 s0, s2;
	s28 =	sshll.u32 s27, $0x12  }
0x1a: {  	s31 =	simm.s32 $0x13C00;
	s0 =	sadd.s32 s1, s0;
	s30 =	sor.u32 $0x400, s28  }
0x1b: {  	[hbm4b:s0+s30] =	stream.strided.scatter [tilespmem:s29], [sflag:$0x2], s19, s31, s30, $0x38;
	[tilespmem:$0x10000] =	vst v63  }
.LBB1_15:
0x1c: {  	p0 =	slt.u32 s15, $0x2  }
0x1d: {  	s0 =	smov.u32 s18;
	p1 =	sgt.s32 @!p0 s18, $0x7F  }
0x1e: {  	s2 =	smov.u32 s16;
	s1 =	sshra.s32 @!p0 s18, $0x1F;
	p1 =	por !p1, p0  }
0x1f: {  	p2 =	sgt.s32 @!p0 s16, $0x2700;
	s1 =	sand.u32 @!p0 s1, s18;
	s0 =	simm.s32 @p1 $0x7F  }
0x20: {  	s4 =	sshra.s32 @!p0 s16, $0x1F;
	p2 =	por !p2, p0;
	s0 =	ssub.s32 @!p0 s0, s1  }
0x21: {  	s4 =	sand.u32 @!p0 s4, s16;
	s2 =	simm.s32 @p2 $0x2700;
	s1 =	sadd.s32 @!p0 $0xFFFFFF81, s0  }
0x22: {  	s2 =	ssub.s32 @!p0 s2, s4;
	p1 =	sgt.s32 @!p0 s1, $0x3;
	s1 =	ssub.s32 @!p0 $0x0, s17  }
0x23: {  	s0 =	ssub.s32 @!p0 $0x83, s0;
	s4 =	sadd.s32 @!p0 $0xFFFFD900, s2;
	s1 =	smin.u32 @!p0 s17, s1  }
0x24: {  	p1 =	por !p1, p0;
	p2 =	sgt.s32 @!p0 s1, $0x1F;
	s1 =	ssub.s32 @!p0 $0x20, s1  }
0x25: {  	s0 =	simm.s32 @!p1 $0x0;
	p1 =	sgt.s32 @!p0 s4, $0x7F;
	p2 =	por !p2, p0  }
0x26: {  	s5 =	smov.u32 s13;
	p1 =	por !p1, p0;
	s1 =	simm.s32 @!p2 $0x0  }
0x27: {  	s0 =	smul.u32 @!p0 s1, s0;
	s1 =	ssub.s32 @!p0 $0x2780, s2;
	s2 =	sadd.s32 $0x1000, s11  }
0x28: {  	s4 =	sadd.s32 $0x20, s13;
	s1 =	simm.s32 @!p1 $0x0;
	p1 =	sgt.s32 s2, $0x270F  }
0x29: {  	s0 =	smul.u32 @!p0 s1, s0;
	s5 =	smov.u32 @p1 s4  }
0x2a: {  	s1 =	sadd.s32 $0x4, s14;
	s4 =	smov.u32 s14;
	p2 =	sgt.s32 s5, $0x1F  }
0x2b: {  	s16 =	smov.u32 s9;
	s4 =	smov.u32 @p2 s1  }
0x2c: {  	s18 =	smov.u32 s12;
	s2 =	smov.u32 @p1 s3;
	p1 =	sgt.s32 s4, $0x82  }
0x2d: {  	s9 =	smov.u32 s11;
	s4 =	simm.s32 @p1 $0x0;
	p1 =	sne.s32 s15, s7  }
.Ltmp1:
0x2e: {  	s12 =	smov.u32 s14;
	s17 =	smov.u32 s10;
	(pc) =	sbr.rel @!p1 .LBB1_16-.Ltmp1, $4  }
0x2f: {  	s10 =	smov.u32 s13;
	s0 =	sand.u32 @!p0 $0x3FFFFFFF, s0;
	s1 =	simm.s32 @!p0 $0x2  }
0x30: {  	s11 =	smov.u32 s2;
	s5 =	simm.s32 @p2 $0x0;
	_ =	swait.ge @!p0 [sflag:s1], s0  }
0x31: {  	s0 =	ssub.s32 @!p0 $0x0, s0;
	s13 =	smov.u32 s5;
	[sflag:s1] =	ssyncset.done @!p0 $0x0  }
0x32: {  	s15 =	sadd.s32 $0x1, s15;
	[sflag:s1] =	ssyncadd.s32 @!p0 s0;
	s14 =	smov.u32 s4  }
.LBB1_1:
0x33: {  	s0 =	rddreg [dreg:$0x4]  }
0x34: {  	p0 =	sge.u32 s15, s0  }
0x35: {  	s2 =	smov.u32 s11;
	p1 =	sgt.s32 @!p0 s14, $0x7F  }
0x36: {  	s0 =	smov.u32 s14;
	s1 =	sshra.s32 @!p0 s14, $0x1F;
	p1 =	por !p1, p0  }
0x37: {  	s4 =	smulhi.u32 @!p0 $0xCF6474A9, s11;
	s1 =	sand.u32 @!p0 s1, s14;
	s0 =	simm.s32 @p1 $0x7F  }
0x38: {  	s5 =	sshra.s32 @!p0 s11, $0x1F;
	p1 =	sgt.s32 @!p0 s11, $0x2700;
	s0 =	ssub.s32 @!p0 s0, s1  }
0x39: {  	s5 =	sand.u32 @!p0 s5, s11;
	p1 =	por !p1, p0;
	s1 =	sadd.s32 @!p0 $0xFFFFFF81, s0  }
0x3a: {  	s2 =	simm.s32 @p1 $0x2700;
	p1 =	sgt.s32 @!p0 s1, $0x3;
	s1 =	ssub.s32 @!p0 $0x0, s13  }
0x3b: {  	s0 =	ssub.s32 @!p0 $0x83, s0;
	p1 =	por !p1, p0;
	s1 =	smin.u32 @!p0 s13, s1  }
0x3c: {  	s2 =	ssub.s32 @!p0 s2, s5;
	s0 =	simm.s32 @!p1 $0x0;
	p1 =	sgt.s32 @!p0 s1, $0x1F  }
0x3d: {  	s5 =	sadd.s32 @!p0 $0xFFFFD900, s2;
	s1 =	ssub.s32 @!p0 $0x20, s1;
	p1 =	por !p1, p0  }
0x3e: {  	s4 =	sshrl.u32 @!p0 s4, $0xD;
	s1 =	simm.s32 @!p1 $0x0;
	p1 =	sgt.s32 @!p0 s5, $0x7F  }
0x3f: {  	s0 =	smul.u32 @!p0 s1, s0;
	s1 =	ssub.s32 @!p0 $0x2780, s2;
	p1 =	por !p1, p0  }
0x40: {  	s2 =	smul.u32 @!p0 $0x2780, s4;
	s1 =	simm.s32 @!p1 $0x0  }
0x41: {  	s4 =	sxor.u32 @!p0 $0xFFFFFFFF, s15;
	s0 =	smul.u32 @!p0 s1, s0  }
0x42: {  	s6 =	rddreg [dreg:$0x3];
	s1 =	sshll.u32 @!p0 s4, $0xE;
	s4 =	smul.u32 @!p0 $0x9E00, s14  }
0x43: {  	s5 =	smul.u32 @!p0 $0x4F0, s13;
	s2 =	ssub.s32 @!p0 s11, s2;
	s1 =	sand.u32 @!p0 $0x4000, s1  }
0x44: {  	s8 =	sand.u32 @!p0 $0x7, s2;
	s2 =	sshrl.u32 @!p0 s2, $0x3;
	s4 =	sadd.s32 @!p0 s6, s4  }
0x45: {  	s0 =	sand.u32 @!p0 $0x3FFFFFFF, s0;
	s4 =	sadd.s32 @!p0 s5, s4;
	s5 =	sshll.u32 @!p0 s8, $0x12  }
0x46: {  	s2 =	sadd.s32 @!p0 s2, s4;
	s4 =	sor.u32 @!p0 $0x80, s5;
	s5 =	simm.s32 @!p0 $0x2780  }
0x47: {  	[tilespmem:s1], [sflag:$0x1] =	stream.strided.gather @!p0 [hbm4b:s2+s4], s0, s5, s4, $0x38;
	[tilespmem:$0x10000] =	vst v63  }
0x48: {  	p0 =	seq.s32 s15, $0x0  }
0x49: {  	p1 =	sge.u32 @!p0 s15, s7  }
0x4a: {  	p0 =	por p0, p1  }
.Ltmp2:
0x4b: {  	_ = 	snop;
	(pc) =	sbr.rel @p0 .LBB1_15-.Ltmp2, $1  }
0x4c: {  	_ =	sdelay $0x3  }
0x4d: {  	p0 =	sgt.s32 s12, $0x7F;
	s0 =	smov.u32 s12  }
0x4e: {  	s1 =	sshra.s32 s12, $0x1F;
	p1 =	sgt.s32 s9, $0x2700;
	s2 =	smov.u32 s9  }
0x4f: {  	s4 =	sshra.s32 s9, $0x1F;
	s0 =	simm.s32 @!p0 $0x7F;
	s1 =	sand.u32 s1, s12  }
0x50: {  	s2 =	simm.s32 @!p1 $0x2700;
	s4 =	sand.u32 s4, s9;
	s0 =	ssub.s32 s0, s1  }
0x51: {  	s28 =	ssub.s32 $0x0, s10;
	s2 =	ssub.s32 s2, s4;
	s1 =	sadd.s32 $0xFFFFFF81, s0  }
0x52: {  	s0 =	ssub.s32 $0x83, s0;
	p0 =	sgt.s32 s1, $0x3;
	s1 =	smin.u32 s10, s28  }
0x53: {  	s29 =	sadd.s32 $0xFFFFD900, s2;
	p1 =	sgt.s32 s1, $0x1F;
	s1 =	ssub.s32 $0x20, s1  }
0x54: {  	s0 =	simm.s32 @p0 $0x0;
	p0 =	sgt.s32 s29, $0x7F;
	s1 =	simm.s32 @p1 $0x0  }
0x55: {  	s0 =	smul.u32 s1, s0;
	s1 =	ssub.s32 $0x2780, s2;
	s2 =	sadd.s32 $0x4, s12  }
0x56: {  	s4 =	sadd.s32 $0x20, s10;
	s1 =	simm.s32 @p0 $0x0;
	p0 =	slt.s32 s2, $0x83  }
0x57: {  	s2 =	simm.s32 @!p0 $0x83;
	p0 =	slt.s32 s4, $0x20  }
0x58: {  	s21 =	ssub.s32 s2, s12;
	s4 =	simm.s32 @!p0 $0x20  }
0x59: {  	s22 =	ssub.s32 s4, s10;
	p0 =	slt.s32 s21, $0x1  }
0x5a: {  	p1 =	slt.s32 @!p0 s22, $0x1  }
0x5b: {  	s0 =	smul.u32 s1, s0;
	p1 =	por p0, p1  }
.Ltmp3:
0x5c: {  	_ = 	snop;
	(pc) =	sbr.rel @p1 .LBB1_14-.Ltmp3, $4  }
0x5d: {  	s30 =	simm.s32 $0x1;
	s19 =	sand.u32 $0x3FFFFFFF, s0  }
0x5e: {  	_ =	swait.ge [sflag:s30], s19  }
0x5f: {  	s31 =	sshll.u32 s15, $0xE;
	s0 =	ssub.s32 $0x0, s19;
	[sflag:s30] =	ssyncset.done $0x0  }
0x60: {  	s20 =	sand.u32 $0x4000, s31;
	[sflag:s30] =	ssyncadd.s32 s0  }
0x61: {  	s0 =	sadd.s32 $0x80, s9  }
0x62: {  	p1 =	slt.s32 s0, $0x2710  }
.Ltmp4:
0x63: {  	s0 =	simm.s32 @!p1 $0x2710;
	(pc) =	sbr.rel .LBB1_4-.Ltmp4, $4  }
0x64: {  	s0 =	ssub.s32 s0, s9  }
0x65: {  	s25 =	sor.u32 @!p0 $0x8000, s20;
	s27 =	simm.s32 $0x0;
	s0 =	sadd.s32 $0xF, s0  }
0x66: {  	s23 =	sand.u32 $0xFFFFFFF0, s0;
	s1 =	sshll.u32 s0, $0x3;
	s24 =	sand.u32 @!p0 $0xFFFFFF00, s0  }
0x67: {  	p0 =	slt.s32 s0, $0x100;
	s26 =	sand.u32 $0xFFFFF800, s1;
	p1 =	sge.s32 s24, s23  }
.LBB1_13:
0x68: {  	s27 =	sadd.s32 $0x1, s27  }
0x69: {  	p2 =	sne.s32 s27, s21  }
.Ltmp5:
0x6a: {  	_ = 	snop;
	(pc) =	sbr.rel @!p2 .LBB1_14-.Ltmp5, $1  }
0x6b: {  	_ =	sdelay $0x3  }
.LBB1_4:
.Ltmp6:
0x6c: {  	(pc) =	sbr.rel .LBB1_5-.Ltmp6, $3  }
0x6d: {  	_ =	sdelay $0x1  }
0x6e: {  	s0 =	sshll.u32 s27, $0xC;
	s5 =	simm.s32 $0x400  }
0x6f: {  	s31 =	simm.s32 $0x0;
	s28 =	sadd.s32 s0, s20;
	s29 =	sadd.s32 s0, s25  }
.LBB1_12:
0x70: {  	s31 =	sadd.s32 $0x1, s31  }
0x71: {  	p2 =	sne.s32 s31, s22  }
.Ltmp7:
0x72: {  	_ = 	snop;
	(pc) =	sbr.rel @!p2 .LBB1_13-.Ltmp7, $2  }
0x73: {  	_ =	sdelay $0x2  }
0x74: {  	s5 =	sadd.s32 $0x80, s5  }
.LBB1_5:
.Ltmp8:
0x75: {  	(pc) =	sbr.rel @p0 .LBB1_9-.Ltmp8, $4  }
0x76: {  	_ = 	snop  }
0x77: {  	s1 =	sshll.u32 s31, $0x7  }
0x78: {  	s0 =	sand.u32 $0x380, s1  }
0x79: {  	s0 =	sadd.s32 s0, s29  }
0x7a: {  	s2 =	sadd.s32 s1, s28  }
0x7b: {  	v0 =	vmov s0;
	v6 =	vld [tilespmem:s2+$0x70]  }
0x7c: {  	v7 =	vld [tilespmem:s2+$0x0]  }
0x7d: {  	v8 =	vld [tilespmem:s2+$0x10]  }
0x7e: {  	v1 =	vld [tilespmem:s2+$0x20]  }
0x7f: {  	s4 =	sadd.s32 $0xFFFFFC00, s5;
	s8 =	sand.u32 $0xC00, s5;
	v2 =	vld [tilespmem:s2+$0x30]  }
0x80: {  	s4 =	sand.u32 $0xC00, s4;
	v3 =	vld [tilespmem:s2+$0x40];
	[tilespmem:v0+s8+$0x70 ss:$0x1] =	vst.idx.msk $0xffff, v6  }
0x81: {  	v5 =	vld [tilespmem:s2+$0x50];
	[tilespmem:v0+s4+$0x0 ss:$0x1] =	vst.idx.msk $0xffff, v7  }
0x82: {  	v4 =	vld [tilespmem:s2+$0x60];
	[tilespmem:v0+s4+$0x10 ss:$0x1] =	vst.idx.msk $0xffff, v8  }
0x83: {  	[tilespmem:v0+s4+$0x20 ss:$0x1] =	vst.idx.msk $0xffff, v1  }
0x84: {  	[tilespmem:v0+s4+$0x30 ss:$0x1] =	vst.idx.msk $0xffff, v2  }
0x85: {  	p2 =	sgt.s32 s24, $0x100;
	[tilespmem:v0+s4+$0x40 ss:$0x1] =	vst.idx.msk $0xffff, v3  }
.Ltmp9:
0x86: {  	[tilespmem:v0+s4+$0x50 ss:$0x1] =	vst.idx.msk $0xffff, v5;
	(pc) =	sbr.rel @!p2 .LBB1_8-.Ltmp9, $4  }
0x87: {  	[tilespmem:v0+s4+$0x60 ss:$0x1] =	vst.idx.msk $0xffff, v4  }
0x88: {  	[tilespmem:v0+s4+$0x70 ss:$0x1] =	vst.idx.msk $0xffff, v6  }
0x89: {  	[tilespmem:v0+s8+$0x0 ss:$0x1] =	vst.idx.msk $0xffff, v7  }
0x8a: {  	s30 =	smov.u32 s5;
	s4 =	simm.s32 $0x100;
	[tilespmem:v0+s8+$0x10 ss:$0x1] =	vst.idx.msk $0xffff, v8  }
.LBB1_7:
0x8b: {  	v6 =	vld [tilespmem:s2+$0x70];
	s4 =	sadd.s32 $0x100, s4;
	[tilespmem:v0+s8+$0x20 ss:$0x1] =	vst.idx.msk $0xffff, v1  }
0x8c: {  	v7 =	vld [tilespmem:s2+$0x0];
	p2 =	slt.s32 s4, s24;
	[tilespmem:v0+s8+$0x30 ss:$0x1] =	vst.idx.msk $0xffff, v2  }
0x8d: {  	v8 =	vld [tilespmem:s2+$0x10];
	[tilespmem:v0+s8+$0x40 ss:$0x1] =	vst.idx.msk $0xffff, v3  }
0x8e: {  	s30 =	sadd.s32 $0x800, s30;
	v1 =	vld [tilespmem:s2+$0x20];
	[tilespmem:v0+s8+$0x50 ss:$0x1] =	vst.idx.msk $0xffff, v5  }
0x8f: {  	s6 =	sadd.s32 $0xFFFFFC00, s30;
	v2 =	vld [tilespmem:s2+$0x30];
	[tilespmem:v0+s8+$0x60 ss:$0x1] =	vst.idx.msk $0xffff, v4;
	s8 =	sand.u32 $0xC00, s30  }
0x90: {  	s6 =	sand.u32 $0xC00, s6;
	v3 =	vld [tilespmem:s2+$0x40];
	[tilespmem:v0+s8+$0x70 ss:$0x1] =	vst.idx.msk $0xffff, v6  }
0x91: {  	[tilespmem:v0+s6+$0x0 ss:$0x1] =	vst.idx.msk $0xffff, v7;
	v5 =	vld [tilespmem:s2+$0x50]  }
0x92: {  	[tilespmem:v0+s6+$0x10 ss:$0x1] =	vst.idx.msk $0xffff, v8;
	v4 =	vld [tilespmem:s2+$0x60]  }
0x93: {  	[tilespmem:v0+s6+$0x20 ss:$0x1] =	vst.idx.msk $0xffff, v1  }
0x94: {  	[tilespmem:v0+s6+$0x30 ss:$0x1] =	vst.idx.msk $0xffff, v2  }
0x95: {  	[tilespmem:v0+s6+$0x40 ss:$0x1] =	vst.idx.msk $0xffff, v3  }
.Ltmp10:
0x96: {  	[tilespmem:v0+s6+$0x50 ss:$0x1] =	vst.idx.msk $0xffff, v5;
	(pc) =	sbr.rel @p2 .LBB1_7-.Ltmp10, $4  }
0x97: {  	[tilespmem:v0+s6+$0x60 ss:$0x1] =	vst.idx.msk $0xffff, v4  }
0x98: {  	[tilespmem:v0+s6+$0x70 ss:$0x1] =	vst.idx.msk $0xffff, v6  }
0x99: {  	[tilespmem:v0+s8+$0x0 ss:$0x1] =	vst.idx.msk $0xffff, v7  }
0x9a: {  	[tilespmem:v0+s8+$0x10 ss:$0x1] =	vst.idx.msk $0xffff, v8  }
.LBB1_8:
0x9b: {  	_ =	sdelay $0x3  }
0x9c: {  	[tilespmem:v0+s8+$0x20 ss:$0x1] =	vst.idx.msk $0xffff, v1  }
0x9d: {  	[tilespmem:v0+s8+$0x30 ss:$0x1] =	vst.idx.msk $0xffff, v2  }
0x9e: {  	[tilespmem:v0+s8+$0x40 ss:$0x1] =	vst.idx.msk $0xffff, v3  }
0x9f: {  	[tilespmem:v0+s8+$0x50 ss:$0x1] =	vst.idx.msk $0xffff, v5  }
0xa0: {  	[tilespmem:v0+s8+$0x60 ss:$0x1] =	vst.idx.msk $0xffff, v4  }
.LBB1_9:
.Ltmp11:
0xa1: {  	(pc) =	sbr.rel @p1 .LBB1_12-.Ltmp11, $1  }
0xa2: {  	_ =	sdelay $0x3  }
0xa3: {  	s2 =	sshll.u32 s31, $0x9  }
0xa4: {  	s2 =	sshra.s32 s2, $0x2  }
0xa5: {  	s2 =	sadd.s32 s2, s28  }
0xa6: {  	v0 =	vmov s2;
	_ =	sdelay $0x2  }
0xa7: {  	s4 =	smov.u32 s24;
	s2 =	smov.u32 s26  }
.LBB1_11:
0xa8: {  	s6 =	sand.u32 $0x70, s4;
	s4 =	sadd.s32 $0x10, s4  }
0xa9: {  	s8 =	sand.u32 $0xC00, s2;
	v1 =	vld.idx.msk [tilespmem:v0+s6+$0x0 ss:$0x1], $0xffff;
	p2 =	slt.s32 s4, s23  }
.Ltmp12:
0xaa: {  	s8 =	sadd.s32 s1, s8;
	(pc) =	sbr.rel @p2 .LBB1_11-.Ltmp12, $4  }
0xab: {  	s8 =	sand.u32 $0xC00, s8  }
0xac: {  	s8 =	sadd.s32 s8, s0  }
0xad: {  	s6 =	sadd.s32 s6, s8  }
0xae: {  	s2 =	sadd.s32 $0x80, s2;
	[tilespmem:s6+$0x0] =	vst v1  }
.Ltmp13:
0xaf: {  	_ = 	snop;
	(pc) =	sbr.rel .LBB1_12-.Ltmp13, $1  }
0xb0: {  	_ =	sdelay $0x3  }
.LBB1_16:
0xb1: {  	_ =	sfence.sel $0x180000  }
0xb2: {  	s0 =	simm.s32 $0x1;
	[bflag:$0x0] =	sbarrier.arrive $0xFFFF  }
0xb3: {  	s30 =	simm.s32 $0x2;
	[sflag:s0] =	ssyncpa.u1 $0x1  }
0xb4: {  	[sflag:s30] =	ssyncpa.u1 $0x1  }
0xb5: {  	_ =	strace $0x90000047  }
0xb6: {  	s31 =	stileid.u32;
	[bflag:$0x2] =	sbarrier.arrive $0xFFFF  }
0xb7: {  	p0 =	sne.s32 s31, $0x0;
	s0 =	rddreg [dreg:$0x2]  }
0xb8: {  	s0 =	sadd.s32 @!p0 $0x100000, s0  }
0xb9: {  	[sflag:s0] =	ssyncadd.tile.s32 @!p0 $0x1;
	_ =	shalt  }
.Lfunc_end1:
_tile_overlayer_lowered:
.L_overlay_start_2:
0xba: {  	(tag) =	ssettag $0x2  }
0xbb: {  	s0 =	rddreg [dreg:$0x0];
	s2 =	stileid.u32  }
0xbc: {  	s1 =	rddreg [dreg:$0x1];
	p0 =	sne.s32 s2, $0x0  }
0xbd: {  	s3 =	rddreg [dreg:$0x2];
	[bflag:$0x3] =	sbarrier.arrive $0xFFFF;
	s2 =	simm.s32 @!p0 $0x1C01  }
0xbe: {  	[timem:s3], [sflag:s2] =	dma.local @!p0 [hbm:s0], s1  }
0xbf: {  	s0 =	simm.s32 @!p0 $0x1  }
0xc0: {  	_ =	swait.ge @!p0 [sflag:s0], s1  }
0xc1: {  	s1 =	ssub.s32 @!p0 $0x0, s1;
	[sflag:s0] =	ssyncset.done @!p0 $0x0  }
0xc2: {  	[sflag:s0] =	ssyncadd.s32 @!p0 s1  }
0xc3: {  	[bflag:$0x3] =	sbarrier.arrive $0xFFFF  }
0xc4: {  	_ =	shalt  }

</sc_bundles>
